<compile_context>
chip_gen: v7x
topology: tpu7x:2x2x1
jax: 0.10.2.dev20260603
libtpu: 0.0.44.dev20260713+nightly
codegen_flags: <defaults>
</compile_context>

<pallas_src>
import functools

import jax
import jax.numpy as jnp
from jax import lax
from jax.experimental import pallas as pl
from jax.experimental.pallas import tpu as pltpu
from jax.experimental.pallas import tpu_sc as plsc

VOCAB = 100000
BATCH = 1024
SEQ = 200
LANES = 16
GROUPS = (SEQ + LANES - 1) // LANES
SEQ_PAD = GROUPS * LANES
NUM_WORKERS = 32
ROWS_PER_W = BATCH // NUM_WORKERS
ZERO_UNROLL = 10

BGROUPS = BATCH // 128
CW = 2048
GV = (VOCAB + CW - 1) // CW
V8 = VOCAB // 8


def _sc_body(tok_hbm, iix_hbm, out_hbm, toks_v, iix_v, hist_v):
    c = lax.axis_index("c")
    s = lax.axis_index("s")
    wid = s * 2 + c
    base = wid * ROWS_PER_W

    pltpu.sync_copy(tok_hbm.at[pl.ds(base, ROWS_PER_W)], toks_v)
    pltpu.sync_copy(iix_hbm, iix_v)

    zeros_f = jnp.zeros((LANES,), jnp.float32)
    ones_f = jnp.ones((LANES,), jnp.float32)

    def _zero(i, carry):
        for u in range(ZERO_UNROLL):
            hist_v[pl.ds((i * ZERO_UNROLL + u) * LANES, LANES)] = zeros_f
        return carry

    lax.fori_loop(0, VOCAB // (LANES * ZERO_UNROLL), _zero, 0)

    iix16 = iix_v[...]

    def _row(r, carry):
        for g in range(GROUPS):
            idx = toks_v[r, pl.ds(g * LANES, LANES)]
            plsc.addupdate_scatter(hist_v, [idx], ones_f)
        plsc.store_scatter(hist_v, [iix16], zeros_f)
        pltpu.sync_copy(hist_v, out_hbm.at[base + r])
        for g in range(GROUPS):
            idx = toks_v[r, pl.ds(g * LANES, LANES)]
            plsc.store_scatter(hist_v, [idx], zeros_f)
        return carry

    lax.fori_loop(0, ROWS_PER_W, _row, 0)


def _tr_body(x_ref, o_ref):
    for g in range(BGROUPS):
        xg = x_ref[g * 128:(g + 1) * 128, :]
        o_ref[:, g, :, :] = xg.T.reshape(CW // 8, 8, 128)


def _to_batch_minor(counts_rm):
    counts4 = pl.pallas_call(
        _tr_body,
        grid=(GV,),
        in_specs=[pl.BlockSpec((BATCH, CW), lambda j: (0, j))],
        out_specs=pl.BlockSpec((CW // 8, BGROUPS, 8, 128), lambda j: (j, 0, 0, 0)),
        out_shape=jax.ShapeDtypeStruct((V8, BGROUPS, 8, 128), jnp.float32),
        compiler_params=pltpu.CompilerParams(dimension_semantics=("parallel",)),
    )(counts_rm)
    return counts4.transpose(1, 3, 0, 2).reshape(BATCH, VOCAB)


@jax.jit
def kernel(inputs, ignore_index):
    iix = jnp.asarray(ignore_index, jnp.int32)
    toks = inputs.astype(jnp.int32)
    pad = jnp.full((BATCH, SEQ_PAD - SEQ), iix, jnp.int32)
    toks = jnp.concatenate([toks, pad], axis=1)
    iix_arr = jnp.full((LANES,), iix, jnp.int32)

    mesh = plsc.VectorSubcoreMesh(core_axis_name="c", subcore_axis_name="s")
    counts_rm = pl.kernel(
        _sc_body,
        out_type=jax.ShapeDtypeStruct((BATCH, VOCAB), jnp.float32),
        mesh=mesh,
        scratch_types=[
            pltpu.VMEM((ROWS_PER_W, SEQ_PAD), jnp.int32),
            pltpu.VMEM((LANES,), jnp.int32),
            pltpu.VMEM((VOCAB,), jnp.float32),
        ],
        compiler_params=pltpu.CompilerParams(
            needs_layout_passes=False, use_tc_tiling_on_sc=True
        ),
    )(toks, iix_arr)
    return _to_batch_minor(counts_rm)

# --- scband reference (transcript-rebuilt; emitter-appended) ---
"""Pipeline reference for scband-seq2-counts-33251636805805 (READ-ONLY COPY).

The authoritative reference and input builder live on the scoring server;
editing this copy changes nothing except your own understanding.
"""

import jax, jax.numpy as jnp
import numpy as np

VOCAB_SIZE = 100000
BATCH = 1024
SEQ_LEN = 200


def setup_inputs(seed: int = 0) -> dict:
    key = jax.random.key(seed)
    inputs = jax.random.randint(key, (BATCH, SEQ_LEN), 0, VOCAB_SIZE)
    return {"inputs": inputs, "ignore_index": 0}


def reference(inputs, ignore_index):
    B, L = inputs.shape
    counts = jnp.zeros((B, VOCAB_SIZE), dtype=jnp.float32)
    ones = jnp.ones(inputs.shape, dtype=jnp.float32)
    rows = jnp.arange(B)[:, None]
    # scatter_add along dim=1: counts[b, inputs[b, l]] += 1
    counts = counts.at[rows, inputs].add(ones)
    counts = counts.at[:, ignore_index].set(0.0)
    return counts

if __name__ == "__main__":
    import jax
    _d = setup_inputs()
    print(jax.jit(kernel)(*tuple(_d.values())))

</pallas_src>

<mosaic_0001>
#map = affine_map<(d0, d1) -> (0, 0)>
#map1 = affine_map<(d0, d1) -> (0)>
module attributes {stable_mosaic.version = 14 : i64} {
  func.func @_sc_body(%arg0: i32, %arg1: i32, %arg2: memref<1024x208xi32, #tpu.memory_space<hbm>>, %arg3: memref<16xi32, #tpu.memory_space<hbm>>, %arg4: memref<1024x100000xf32, #tpu.memory_space<hbm>>, %arg5: memref<32x208xi32, #tpu.memory_space<vmem>>, %arg6: memref<16xi32, #tpu.memory_space<vmem>>, %arg7: memref<100000xf32, #tpu.memory_space<vmem>>) attributes {dimension_semantics = [#tpu.dimension_semantics<core_parallel>, #tpu.dimension_semantics<subcore_parallel>], iteration_bounds = array<i64: 2, 16>, scalar_prefetch = 0 : i64, scratch_operands = 3 : i64, tpu.core_type = #tpu.core_type<sc_vector_subcore>, window_params = [{transform_indices = #map}, {transform_indices = #map1}, {transform_indices = #map}]} {
    %mul3A = arith.constant 2 : i32
    %mul3A_0 = arith.muli %arg1, %mul3A : i32
    %add3A = arith.addi %mul3A_0, %arg0 : i32
    %mul3A_1 = arith.constant 32 : i32
    %mul3A_2 = arith.muli %add3A, %mul3A_1 : i32
    "tpu.region"() ({
      %run_scoped3A = tpu.sem_alloc : memref<!tpu.dma_semaphore, #tpu.memory_space<semaphore_mem>>
      %dma_start3A = arith.constant 0 : i32
      %dma_start3A_18 = tpu.memref_slice %arg2[%mul3A_2, %dma_start3A] : memref<1024x208xi32, #tpu.memory_space<hbm>> -> memref<32x208xi32, #tpu.memory_space<hbm>>
      %dma_start3A_19 = arith.constant 0 : i32
      %dma_start3A_20 = tpu.memref_slice %arg2[%mul3A_2, %dma_start3A_19] : memref<1024x208xi32, #tpu.memory_space<hbm>> -> memref<32x208xi32, #tpu.memory_space<hbm>>
      tpu.enqueue_dma source(%dma_start3A_20 : memref<32x208xi32, #tpu.memory_space<hbm>>) target(%arg5 : memref<32x208xi32, #tpu.memory_space<vmem>>) target_semaphore(%run_scoped3A : memref<!tpu.dma_semaphore, #tpu.memory_space<semaphore_mem>>)
      %dma_wait3A = arith.constant 0 : i32
      %dma_wait3A_21 = tpu.memref_slice %arg2[%mul3A_2, %dma_wait3A] : memref<1024x208xi32, #tpu.memory_space<hbm>> -> memref<32x208xi32, #tpu.memory_space<hbm>>
      %dma_wait3A_22 = arith.constant 0 : i32
      %dma_wait3A_23 = tpu.memref_slice %arg2[%mul3A_2, %dma_wait3A_22] : memref<1024x208xi32, #tpu.memory_space<hbm>> -> memref<32x208xi32, #tpu.memory_space<hbm>>
      tpu.wait_dma2 semaphore(%run_scoped3A : memref<!tpu.dma_semaphore, #tpu.memory_space<semaphore_mem>>) src(%dma_wait3A_23 : memref<32x208xi32, #tpu.memory_space<hbm>>) dst(%arg5 : memref<32x208xi32, #tpu.memory_space<vmem>>)
      tpu.yield
    }) : () -> ()
    "tpu.region"() ({
      %run_scoped3A = tpu.sem_alloc : memref<!tpu.dma_semaphore, #tpu.memory_space<semaphore_mem>>
      tpu.enqueue_dma source(%arg3 : memref<16xi32, #tpu.memory_space<hbm>>) target(%arg6 : memref<16xi32, #tpu.memory_space<vmem>>) target_semaphore(%run_scoped3A : memref<!tpu.dma_semaphore, #tpu.memory_space<semaphore_mem>>)
      tpu.wait_dma2 semaphore(%run_scoped3A : memref<!tpu.dma_semaphore, #tpu.memory_space<semaphore_mem>>) src(%arg3 : memref<16xi32, #tpu.memory_space<hbm>>) dst(%arg6 : memref<16xi32, #tpu.memory_space<vmem>>)
      tpu.yield
    }) : () -> ()
    %broadcast_in_dim3A = arith.constant 0.000000e+00 : f32
    %broadcast_in_dim3A_3 = vector.broadcast %broadcast_in_dim3A : f32 to vector<16xf32>
    %broadcast_in_dim3A_4 = arith.constant 1.000000e+00 : f32
    %broadcast_in_dim3A_5 = vector.broadcast %broadcast_in_dim3A_4 : f32 to vector<16xf32>
    %scan3A = arith.constant 0 : i32
    %scan3A_6 = arith.constant 0 : i32
    %scan3A_7 = arith.constant 625 : i32
    %scan3A_8 = arith.addi %scan3A_6, %scan3A_7 : i32
    %scan3A_9 = arith.constant 1 : i32
    scf.for %scan3A_18 = %scan3A_6 to %scan3A_8 step %scan3A_9  : i32 {
      %mul3A_19 = arith.constant 10 : i32
      %mul3A_20 = arith.muli %scan3A_18, %mul3A_19 : i32
      %add3A_21 = arith.constant 0 : i32
      %add3A_22 = arith.addi %mul3A_20, %add3A_21 : i32
      %mul3A_23 = arith.constant 16 : i32
      %mul3A_24 = arith.muli %add3A_22, %mul3A_23 : i32
      %swap3A = arith.index_cast %mul3A_24 : i32 to index
      %swap3A_25 = tpu.vector_load %arg7[%swap3A] {strides = array<i32>} : memref<100000xf32, #tpu.memory_space<vmem>>, vector<16xf32>,
      tpu.vector_store %arg7[%swap3A], %broadcast_in_dim3A_3 {strides = array<i32>} : memref<100000xf32, #tpu.memory_space<vmem>>, vector<16xf32>,
      %mul3A_26 = arith.constant 10 : i32
      %mul3A_27 = arith.muli %scan3A_18, %mul3A_26 : i32
      %add3A_28 = arith.constant 1 : i32
      %add3A_29 = arith.addi %mul3A_27, %add3A_28 : i32
      %mul3A_30 = arith.constant 16 : i32
      %mul3A_31 = arith.muli %add3A_29, %mul3A_30 : i32
      %swap3A_32 = arith.index_cast %mul3A_31 : i32 to index
      %swap3A_33 = tpu.vector_load %arg7[%swap3A_32] {strides = array<i32>} : memref<100000xf32, #tpu.memory_space<vmem>>, vector<16xf32>,
      tpu.vector_store %arg7[%swap3A_32], %broadcast_in_dim3A_3 {strides = array<i32>} : memref<100000xf32, #tpu.memory_space<vmem>>, vector<16xf32>,
      %mul3A_34 = arith.constant 10 : i32
      %mul3A_35 = arith.muli %scan3A_18, %mul3A_34 : i32
      %add3A_36 = arith.constant 2 : i32
      %add3A_37 = arith.addi %mul3A_35, %add3A_36 : i32
      %mul3A_38 = arith.constant 16 : i32
      %mul3A_39 = arith.muli %add3A_37, %mul3A_38 : i32
      %swap3A_40 = arith.index_cast %mul3A_39 : i32 to index
      %swap3A_41 = tpu.vector_load %arg7[%swap3A_40] {strides = array<i32>} : memref<100000xf32, #tpu.memory_space<vmem>>, vector<16xf32>,
      tpu.vector_store %arg7[%swap3A_40], %broadcast_in_dim3A_3 {strides = array<i32>} : memref<100000xf32, #tpu.memory_space<vmem>>, vector<16xf32>,
      %mul3A_42 = arith.constant 10 : i32
      %mul3A_43 = arith.muli %scan3A_18, %mul3A_42 : i32
      %add3A_44 = arith.constant 3 : i32
      %add3A_45 = arith.addi %mul3A_43, %add3A_44 : i32
      %mul3A_46 = arith.constant 16 : i32
      %mul3A_47 = arith.muli %add3A_45, %mul3A_46 : i32
      %swap3A_48 = arith.index_cast %mul3A_47 : i32 to index
      %swap3A_49 = tpu.vector_load %arg7[%swap3A_48] {strides = array<i32>} : memref<100000xf32, #tpu.memory_space<vmem>>, vector<16xf32>,
      tpu.vector_store %arg7[%swap3A_48], %broadcast_in_dim3A_3 {strides = array<i32>} : memref<100000xf32, #tpu.memory_space<vmem>>, vector<16xf32>,
      %mul3A_50 = arith.constant 10 : i32
      %mul3A_51 = arith.muli %scan3A_18, %mul3A_50 : i32
      %add3A_52 = arith.constant 4 : i32
      %add3A_53 = arith.addi %mul3A_51, %add3A_52 : i32
      %mul3A_54 = arith.constant 16 : i32
      %mul3A_55 = arith.muli %add3A_53, %mul3A_54 : i32
      %swap3A_56 = arith.index_cast %mul3A_55 : i32 to index
      %swap3A_57 = tpu.vector_load %arg7[%swap3A_56] {strides = array<i32>} : memref<100000xf32, #tpu.memory_space<vmem>>, vector<16xf32>,
      tpu.vector_store %arg7[%swap3A_56], %broadcast_in_dim3A_3 {strides = array<i32>} : memref<100000xf32, #tpu.memory_space<vmem>>, vector<16xf32>,
      %mul3A_58 = arith.constant 10 : i32
      %mul3A_59 = arith.muli %scan3A_18, %mul3A_58 : i32
      %add3A_60 = arith.constant 5 : i32
      %add3A_61 = arith.addi %mul3A_59, %add3A_60 : i32
      %mul3A_62 = arith.constant 16 : i32
      %mul3A_63 = arith.muli %add3A_61, %mul3A_62 : i32
      %swap3A_64 = arith.index_cast %mul3A_63 : i32 to index
      %swap3A_65 = tpu.vector_load %arg7[%swap3A_64] {strides = array<i32>} : memref<100000xf32, #tpu.memory_space<vmem>>, vector<16xf32>,
      tpu.vector_store %arg7[%swap3A_64], %broadcast_in_dim3A_3 {strides = array<i32>} : memref<100000xf32, #tpu.memory_space<vmem>>, vector<16xf32>,
      %mul3A_66 = arith.constant 10 : i32
      %mul3A_67 = arith.muli %scan3A_18, %mul3A_66 : i32
      %add3A_68 = arith.constant 6 : i32
      %add3A_69 = arith.addi %mul3A_67, %add3A_68 : i32
      %mul3A_70 = arith.constant 16 : i32
      %mul3A_71 = arith.muli %add3A_69, %mul3A_70 : i32
      %swap3A_72 = arith.index_cast %mul3A_71 : i32 to index
      %swap3A_73 = tpu.vector_load %arg7[%swap3A_72] {strides = array<i32>} : memref<100000xf32, #tpu.memory_space<vmem>>, vector<16xf32>,
      tpu.vector_store %arg7[%swap3A_72], %broadcast_in_dim3A_3 {strides = array<i32>} : memref<100000xf32, #tpu.memory_space<vmem>>, vector<16xf32>,
      %mul3A_74 = arith.constant 10 : i32
      %mul3A_75 = arith.muli %scan3A_18, %mul3A_74 : i32
      %add3A_76 = arith.constant 7 : i32
      %add3A_77 = arith.addi %mul3A_75, %add3A_76 : i32
      %mul3A_78 = arith.constant 16 : i32
      %mul3A_79 = arith.muli %add3A_77, %mul3A_78 : i32
      %swap3A_80 = arith.index_cast %mul3A_79 : i32 to index
      %swap3A_81 = tpu.vector_load %arg7[%swap3A_80] {strides = array<i32>} : memref<100000xf32, #tpu.memory_space<vmem>>, vector<16xf32>,
      tpu.vector_store %arg7[%swap3A_80], %broadcast_in_dim3A_3 {strides = array<i32>} : memref<100000xf32, #tpu.memory_space<vmem>>, vector<16xf32>,
      %mul3A_82 = arith.constant 10 : i32
      %mul3A_83 = arith.muli %scan3A_18, %mul3A_82 : i32
      %add3A_84 = arith.constant 8 : i32
      %add3A_85 = arith.addi %mul3A_83, %add3A_84 : i32
      %mul3A_86 = arith.constant 16 : i32
      %mul3A_87 = arith.muli %add3A_85, %mul3A_86 : i32
      %swap3A_88 = arith.index_cast %mul3A_87 : i32 to index
      %swap3A_89 = tpu.vector_load %arg7[%swap3A_88] {strides = array<i32>} : memref<100000xf32, #tpu.memory_space<vmem>>, vector<16xf32>,
      tpu.vector_store %arg7[%swap3A_88], %broadcast_in_dim3A_3 {strides = array<i32>} : memref<100000xf32, #tpu.memory_space<vmem>>, vector<16xf32>,
      %mul3A_90 = arith.constant 10 : i32
      %mul3A_91 = arith.muli %scan3A_18, %mul3A_90 : i32
      %add3A_92 = arith.constant 9 : i32
      %add3A_93 = arith.addi %mul3A_91, %add3A_92 : i32
      %mul3A_94 = arith.constant 16 : i32
      %mul3A_95 = arith.muli %add3A_93, %mul3A_94 : i32
      %swap3A_96 = arith.index_cast %mul3A_95 : i32 to index
      %swap3A_97 = tpu.vector_load %arg7[%swap3A_96] {strides = array<i32>} : memref<100000xf32, #tpu.memory_space<vmem>>, vector<16xf32>,
      tpu.vector_store %arg7[%swap3A_96], %broadcast_in_dim3A_3 {strides = array<i32>} : memref<100000xf32, #tpu.memory_space<vmem>>, vector<16xf32>,
    }
    %scan3A_10 = arith.constant 625 : i32
    %get3A = arith.constant 0 : index
    %get3A_11 = tpu.vector_load %arg6[%get3A] {strides = array<i32>} : memref<16xi32, #tpu.memory_space<vmem>>, vector<16xi32>,
    %scan3A_12 = arith.constant 0 : i32
    %scan3A_13 = arith.constant 0 : i32
    %scan3A_14 = arith.constant 32 : i32
    %scan3A_15 = arith.addi %scan3A_13, %scan3A_14 : i32
    %scan3A_16 = arith.constant 1 : i32
    scf.for %scan3A_18 = %scan3A_13 to %scan3A_15 step %scan3A_16  : i32 {
      %get3A_19 = arith.index_cast %scan3A_18 : i32 to index
      %get3A_20 = arith.constant 0 : index
      %get3A_21 = tpu.vector_load %arg5[%get3A_19, %get3A_20] {strides = array<i32>} : memref<32x208xi32, #tpu.memory_space<vmem>>, vector<16xi32>,
      tpu.vector_store_idx %arg7[%get3A_21], %broadcast_in_dim3A_5 {add = true} : memref<100000xf32, #tpu.memory_space<vmem>>[vector<16xi32>], vector<16xf32>,
      %get3A_22 = arith.index_cast %scan3A_18 : i32 to index
      %get3A_23 = arith.constant 16 : index
      %get3A_24 = tpu.vector_load %arg5[%get3A_22, %get3A_23] {strides = array<i32>} : memref<32x208xi32, #tpu.memory_space<vmem>>, vector<16xi32>,
      tpu.vector_store_idx %arg7[%get3A_24], %broadcast_in_dim3A_5 {add = true} : memref<100000xf32, #tpu.memory_space<vmem>>[vector<16xi32>], vector<16xf32>,
      %get3A_25 = arith.index_cast %scan3A_18 : i32 to index
      %get3A_26 = arith.constant 32 : index
      %get3A_27 = tpu.vector_load %arg5[%get3A_25, %get3A_26] {strides = array<i32>} : memref<32x208xi32, #tpu.memory_space<vmem>>, vector<16xi32>,
      tpu.vector_store_idx %arg7[%get3A_27], %broadcast_in_dim3A_5 {add = true} : memref<100000xf32, #tpu.memory_space<vmem>>[vector<16xi32>], vector<16xf32>,
      %get3A_28 = arith.index_cast %scan3A_18 : i32 to index
      %get3A_29 = arith.constant 48 : index
      %get3A_30 = tpu.vector_load %arg5[%get3A_28, %get3A_29] {strides = array<i32>} : memref<32x208xi32, #tpu.memory_space<vmem>>, vector<16xi32>,
      tpu.vector_store_idx %arg7[%get3A_30], %broadcast_in_dim3A_5 {add = true} : memref<100000xf32, #tpu.memory_space<vmem>>[vector<16xi32>], vector<16xf32>,
      %get3A_31 = arith.index_cast %scan3A_18 : i32 to index
      %get3A_32 = arith.constant 64 : index
      %get3A_33 = tpu.vector_load %arg5[%get3A_31, %get3A_32] {strides = array<i32>} : memref<32x208xi32, #tpu.memory_space<vmem>>, vector<16xi32>,
      tpu.vector_store_idx %arg7[%get3A_33], %broadcast_in_dim3A_5 {add = true} : memref<100000xf32, #tpu.memory_space<vmem>>[vector<16xi32>], vector<16xf32>,
      %get3A_34 = arith.index_cast %scan3A_18 : i32 to index
      %get3A_35 = arith.constant 80 : index
      %get3A_36 = tpu.vector_load %arg5[%get3A_34, %get3A_35] {strides = array<i32>} : memref<32x208xi32, #tpu.memory_space<vmem>>, vector<16xi32>,
      tpu.vector_store_idx %arg7[%get3A_36], %broadcast_in_dim3A_5 {add = true} : memref<100000xf32, #tpu.memory_space<vmem>>[vector<16xi32>], vector<16xf32>,
      %get3A_37 = arith.index_cast %scan3A_18 : i32 to index
      %get3A_38 = arith.constant 96 : index
      %get3A_39 = tpu.vector_load %arg5[%get3A_37, %get3A_38] {strides = array<i32>} : memref<32x208xi32, #tpu.memory_space<vmem>>, vector<16xi32>,
      tpu.vector_store_idx %arg7[%get3A_39], %broadcast_in_dim3A_5 {add = true} : memref<100000xf32, #tpu.memory_space<vmem>>[vector<16xi32>], vector<16xf32>,
      %get3A_40 = arith.index_cast %scan3A_18 : i32 to index
      %get3A_41 = arith.constant 112 : index
      %get3A_42 = tpu.vector_load %arg5[%get3A_40, %get3A_41] {strides = array<i32>} : memref<32x208xi32, #tpu.memory_space<vmem>>, vector<16xi32>,
      tpu.vector_store_idx %arg7[%get3A_42], %broadcast_in_dim3A_5 {add = true} : memref<100000xf32, #tpu.memory_space<vmem>>[vector<16xi32>], vector<16xf32>,
      %get3A_43 = arith.index_cast %scan3A_18 : i32 to index
      %get3A_44 = arith.constant 128 : index
      %get3A_45 = tpu.vector_load %arg5[%get3A_43, %get3A_44] {strides = array<i32>} : memref<32x208xi32, #tpu.memory_space<vmem>>, vector<16xi32>,
      tpu.vector_store_idx %arg7[%get3A_45], %broadcast_in_dim3A_5 {add = true} : memref<100000xf32, #tpu.memory_space<vmem>>[vector<16xi32>], vector<16xf32>,
      %get3A_46 = arith.index_cast %scan3A_18 : i32 to index
      %get3A_47 = arith.constant 144 : index
      %get3A_48 = tpu.vector_load %arg5[%get3A_46, %get3A_47] {strides = array<i32>} : memref<32x208xi32, #tpu.memory_space<vmem>>, vector<16xi32>,
      tpu.vector_store_idx %arg7[%get3A_48], %broadcast_in_dim3A_5 {add = true} : memref<100000xf32, #tpu.memory_space<vmem>>[vector<16xi32>], vector<16xf32>,
      %get3A_49 = arith.index_cast %scan3A_18 : i32 to index
      %get3A_50 = arith.constant 160 : index
      %get3A_51 = tpu.vector_load %arg5[%get3A_49, %get3A_50] {strides = array<i32>} : memref<32x208xi32, #tpu.memory_space<vmem>>, vector<16xi32>,
      tpu.vector_store_idx %arg7[%get3A_51], %broadcast_in_dim3A_5 {add = true} : memref<100000xf32, #tpu.memory_space<vmem>>[vector<16xi32>], vector<16xf32>,
      %get3A_52 = arith.index_cast %scan3A_18 : i32 to index
      %get3A_53 = arith.constant 176 : index
      %get3A_54 = tpu.vector_load %arg5[%get3A_52, %get3A_53] {strides = array<i32>} : memref<32x208xi32, #tpu.memory_space<vmem>>, vector<16xi32>,
      tpu.vector_store_idx %arg7[%get3A_54], %broadcast_in_dim3A_5 {add = true} : memref<100000xf32, #tpu.memory_space<vmem>>[vector<16xi32>], vector<16xf32>,
      %get3A_55 = arith.index_cast %scan3A_18 : i32 to index
      %get3A_56 = arith.constant 192 : index
      %get3A_57 = tpu.vector_load %arg5[%get3A_55, %get3A_56] {strides = array<i32>} : memref<32x208xi32, #tpu.memory_space<vmem>>, vector<16xi32>,
      tpu.vector_store_idx %arg7[%get3A_57], %broadcast_in_dim3A_5 {add = true} : memref<100000xf32, #tpu.memory_space<vmem>>[vector<16xi32>], vector<16xf32>,
      tpu.vector_store_idx %arg7[%get3A_11], %broadcast_in_dim3A_3 : memref<100000xf32, #tpu.memory_space<vmem>>[vector<16xi32>], vector<16xf32>,
      %add3A_58 = arith.addi %mul3A_2, %scan3A_18 : i32
      "tpu.region"() ({
        %run_scoped3A = tpu.sem_alloc : memref<!tpu.dma_semaphore, #tpu.memory_space<semaphore_mem>>
        %dma_start3A = arith.constant 0 : i32
        %dma_start3A_98 = tpu.memref_slice %arg4[%add3A_58, %dma_start3A] : memref<1024x100000xf32, #tpu.memory_space<hbm>> -> memref<1x100000xf32, #tpu.memory_space<hbm>>
        %dma_start3A_99 = tpu.memref_squeeze %dma_start3A_98 : memref<1x100000xf32, #tpu.memory_space<hbm>> -> memref<100000xf32, #tpu.memory_space<hbm>>
        %dma_start3A_100 = arith.constant 0 : i32
        %dma_start3A_101 = tpu.memref_slice %arg4[%add3A_58, %dma_start3A_100] : memref<1024x100000xf32, #tpu.memory_space<hbm>> -> memref<1x100000xf32, #tpu.memory_space<hbm>>
        %dma_start3A_102 = tpu.memref_squeeze %dma_start3A_101 : memref<1x100000xf32, #tpu.memory_space<hbm>> -> memref<100000xf32, #tpu.memory_space<hbm>>
        tpu.enqueue_dma source(%arg7 : memref<100000xf32, #tpu.memory_space<vmem>>) target(%dma_start3A_102 : memref<100000xf32, #tpu.memory_space<hbm>>) target_semaphore(%run_scoped3A : memref<!tpu.dma_semaphore, #tpu.memory_space<semaphore_mem>>)
        %dma_wait3A = arith.constant 0 : i32
        %dma_wait3A_103 = tpu.memref_slice %arg4[%add3A_58, %dma_wait3A] : memref<1024x100000xf32, #tpu.memory_space<hbm>> -> memref<1x100000xf32, #tpu.memory_space<hbm>>
        %dma_wait3A_104 = tpu.memref_squeeze %dma_wait3A_103 : memref<1x100000xf32, #tpu.memory_space<hbm>> -> memref<100000xf32, #tpu.memory_space<hbm>>
        %dma_wait3A_105 = arith.constant 0 : i32
        %dma_wait3A_106 = tpu.memref_slice %arg4[%add3A_58, %dma_wait3A_105] : memref<1024x100000xf32, #tpu.memory_space<hbm>> -> memref<1x100000xf32, #tpu.memory_space<hbm>>
        %dma_wait3A_107 = tpu.memref_squeeze %dma_wait3A_106 : memref<1x100000xf32, #tpu.memory_space<hbm>> -> memref<100000xf32, #tpu.memory_space<hbm>>
        tpu.wait_dma2 semaphore(%run_scoped3A : memref<!tpu.dma_semaphore, #tpu.memory_space<semaphore_mem>>) src(%arg7 : memref<100000xf32, #tpu.memory_space<vmem>>) dst(%dma_wait3A_107 : memref<100000xf32, #tpu.memory_space<hbm>>)
        tpu.yield
      }) : () -> ()
      %get3A_59 = arith.index_cast %scan3A_18 : i32 to index
      %get3A_60 = arith.constant 0 : index
      %get3A_61 = tpu.vector_load %arg5[%get3A_59, %get3A_60] {strides = array<i32>} : memref<32x208xi32, #tpu.memory_space<vmem>>, vector<16xi32>,
      tpu.vector_store_idx %arg7[%get3A_61], %broadcast_in_dim3A_3 : memref<100000xf32, #tpu.memory_space<vmem>>[vector<16xi32>], vector<16xf32>,
      %get3A_62 = arith.index_cast %scan3A_18 : i32 to index
      %get3A_63 = arith.constant 16 : index
      %get3A_64 = tpu.vector_load %arg5[%get3A_62, %get3A_63] {strides = array<i32>} : memref<32x208xi32, #tpu.memory_space<vmem>>, vector<16xi32>,
      tpu.vector_store_idx %arg7[%get3A_64], %broadcast_in_dim3A_3 : memref<100000xf32, #tpu.memory_space<vmem>>[vector<16xi32>], vector<16xf32>,
      %get3A_65 = arith.index_cast %scan3A_18 : i32 to index
      %get3A_66 = arith.constant 32 : index
      %get3A_67 = tpu.vector_load %arg5[%get3A_65, %get3A_66] {strides = array<i32>} : memref<32x208xi32, #tpu.memory_space<vmem>>, vector<16xi32>,
      tpu.vector_store_idx %arg7[%get3A_67], %broadcast_in_dim3A_3 : memref<100000xf32, #tpu.memory_space<vmem>>[vector<16xi32>], vector<16xf32>,
      %get3A_68 = arith.index_cast %scan3A_18 : i32 to index
      %get3A_69 = arith.constant 48 : index
      %get3A_70 = tpu.vector_load %arg5[%get3A_68, %get3A_69] {strides = array<i32>} : memref<32x208xi32, #tpu.memory_space<vmem>>, vector<16xi32>,
      tpu.vector_store_idx %arg7[%get3A_70], %broadcast_in_dim3A_3 : memref<100000xf32, #tpu.memory_space<vmem>>[vector<16xi32>], vector<16xf32>,
      %get3A_71 = arith.index_cast %scan3A_18 : i32 to index
      %get3A_72 = arith.constant 64 : index
      %get3A_73 = tpu.vector_load %arg5[%get3A_71, %get3A_72] {strides = array<i32>} : memref<32x208xi32, #tpu.memory_space<vmem>>, vector<16xi32>,
      tpu.vector_store_idx %arg7[%get3A_73], %broadcast_in_dim3A_3 : memref<100000xf32, #tpu.memory_space<vmem>>[vector<16xi32>], vector<16xf32>,
      %get3A_74 = arith.index_cast %scan3A_18 : i32 to index
      %get3A_75 = arith.constant 80 : index
      %get3A_76 = tpu.vector_load %arg5[%get3A_74, %get3A_75] {strides = array<i32>} : memref<32x208xi32, #tpu.memory_space<vmem>>, vector<16xi32>,
      tpu.vector_store_idx %arg7[%get3A_76], %broadcast_in_dim3A_3 : memref<100000xf32, #tpu.memory_space<vmem>>[vector<16xi32>], vector<16xf32>,
      %get3A_77 = arith.index_cast %scan3A_18 : i32 to index
      %get3A_78 = arith.constant 96 : index
      %get3A_79 = tpu.vector_load %arg5[%get3A_77, %get3A_78] {strides = array<i32>} : memref<32x208xi32, #tpu.memory_space<vmem>>, vector<16xi32>,
      tpu.vector_store_idx %arg7[%get3A_79], %broadcast_in_dim3A_3 : memref<100000xf32, #tpu.memory_space<vmem>>[vector<16xi32>], vector<16xf32>,
      %get3A_80 = arith.index_cast %scan3A_18 : i32 to index
      %get3A_81 = arith.constant 112 : index
      %get3A_82 = tpu.vector_load %arg5[%get3A_80, %get3A_81] {strides = array<i32>} : memref<32x208xi32, #tpu.memory_space<vmem>>, vector<16xi32>,
      tpu.vector_store_idx %arg7[%get3A_82], %broadcast_in_dim3A_3 : memref<100000xf32, #tpu.memory_space<vmem>>[vector<16xi32>], vector<16xf32>,
      %get3A_83 = arith.index_cast %scan3A_18 : i32 to index
      %get3A_84 = arith.constant 128 : index
      %get3A_85 = tpu.vector_load %arg5[%get3A_83, %get3A_84] {strides = array<i32>} : memref<32x208xi32, #tpu.memory_space<vmem>>, vector<16xi32>,
      tpu.vector_store_idx %arg7[%get3A_85], %broadcast_in_dim3A_3 : memref<100000xf32, #tpu.memory_space<vmem>>[vector<16xi32>], vector<16xf32>,
      %get3A_86 = arith.index_cast %scan3A_18 : i32 to index
      %get3A_87 = arith.constant 144 : index
      %get3A_88 = tpu.vector_load %arg5[%get3A_86, %get3A_87] {strides = array<i32>} : memref<32x208xi32, #tpu.memory_space<vmem>>, vector<16xi32>,
      tpu.vector_store_idx %arg7[%get3A_88], %broadcast_in_dim3A_3 : memref<100000xf32, #tpu.memory_space<vmem>>[vector<16xi32>], vector<16xf32>,
      %get3A_89 = arith.index_cast %scan3A_18 : i32 to index
      %get3A_90 = arith.constant 160 : index
      %get3A_91 = tpu.vector_load %arg5[%get3A_89, %get3A_90] {strides = array<i32>} : memref<32x208xi32, #tpu.memory_space<vmem>>, vector<16xi32>,
      tpu.vector_store_idx %arg7[%get3A_91], %broadcast_in_dim3A_3 : memref<100000xf32, #tpu.memory_space<vmem>>[vector<16xi32>], vector<16xf32>,
      %get3A_92 = arith.index_cast %scan3A_18 : i32 to index
      %get3A_93 = arith.constant 176 : index
      %get3A_94 = tpu.vector_load %arg5[%get3A_92, %get3A_93] {strides = array<i32>} : memref<32x208xi32, #tpu.memory_space<vmem>>, vector<16xi32>,
      tpu.vector_store_idx %arg7[%get3A_94], %broadcast_in_dim3A_3 : memref<100000xf32, #tpu.memory_space<vmem>>[vector<16xi32>], vector<16xf32>,
      %get3A_95 = arith.index_cast %scan3A_18 : i32 to index
      %get3A_96 = arith.constant 192 : index
      %get3A_97 = tpu.vector_load %arg5[%get3A_95, %get3A_96] {strides = array<i32>} : memref<32x208xi32, #tpu.memory_space<vmem>>, vector<16xi32>,
      tpu.vector_store_idx %arg7[%get3A_97], %broadcast_in_dim3A_3 : memref<100000xf32, #tpu.memory_space<vmem>>[vector<16xi32>], vector<16xf32>,
    }
    %scan3A_17 = arith.constant 32 : i32
    return
  }
}

module attributes {stable_mosaic.version = 14 : i64} {
  func.func @_tr_body(%arg0: i32, %arg1: memref<1024x2048xf32, #tpu.memory_space<vmem>>, %arg2: memref<256x8x8x128xf32, #tpu.memory_space<vmem>>) attributes {dimension_semantics = [#tpu.dimension_semantics<parallel>], iteration_bounds = array<i64: 49>, scalar_prefetch = 0 : i64, scratch_operands = 0 : i64, tpu.core_type = #tpu.core_type<tc>, window_params = [{transform_indices = @transform_0, window_bounds = array<i64: 1024, 2048>}, {transform_indices = @transform_1, window_bounds = array<i64: 256, 8, 8, 128>}]} {
    %get3A = arith.constant 0 : index
    %get3A_0 = arith.constant 0 : index
    %get3A_1 = vector.load %arg1[%get3A, %get3A_0] : memref<1024x2048xf32, #tpu.memory_space<vmem>>, vector<128x2048xf32>
    %transpose3A = tpu.transpose %get3A_1, [1, 0] : vector<128x2048xf32> -> vector<2048x128xf32>
    %reshape3A = vector.shape_cast %transpose3A : vector<2048x128xf32> to vector<256x8x128xf32>
    %swap3A = arith.constant 0 : index
    %swap3A_2 = arith.constant 0 : index
    %swap3A_3 = arith.constant 0 : index
    %swap3A_4 = arith.constant 0 : index
    %swap3A_5 = vector.load %arg2[%swap3A, %swap3A_2, %swap3A_3, %swap3A_4] : memref<256x8x8x128xf32, #tpu.memory_space<vmem>>, vector<256x1x8x128xf32>
    %swap3A_6 = vector.shape_cast %swap3A_5 : vector<256x1x8x128xf32> to vector<256x8x128xf32>
    %swap3A_7 = vector.shape_cast %reshape3A : vector<256x8x128xf32> to vector<256x1x8x128xf32>
    tpu.vector_store %arg2[%swap3A, %swap3A_2, %swap3A_3, %swap3A_4], %swap3A_7 {strides = array<i32>} : memref<256x8x8x128xf32, #tpu.memory_space<vmem>>, vector<256x1x8x128xf32>,
    %get3A_8 = arith.constant 128 : index
    %get3A_9 = arith.constant 0 : index
    %get3A_10 = vector.load %arg1[%get3A_8, %get3A_9] : memref<1024x2048xf32, #tpu.memory_space<vmem>>, vector<128x2048xf32>
    %transpose3A_11 = tpu.transpose %get3A_10, [1, 0] : vector<128x2048xf32> -> vector<2048x128xf32>
    %reshape3A_12 = vector.shape_cast %transpose3A_11 : vector<2048x128xf32> to vector<256x8x128xf32>
    %swap3A_13 = arith.constant 0 : index
    %swap3A_14 = arith.constant 1 : index
    %swap3A_15 = arith.constant 0 : index
    %swap3A_16 = arith.constant 0 : index
    %swap3A_17 = vector.load %arg2[%swap3A_13, %swap3A_14, %swap3A_15, %swap3A_16] : memref<256x8x8x128xf32, #tpu.memory_space<vmem>>, vector<256x1x8x128xf32>
    %swap3A_18 = vector.shape_cast %swap3A_17 : vector<256x1x8x128xf32> to vector<256x8x128xf32>
    %swap3A_19 = vector.shape_cast %reshape3A_12 : vector<256x8x128xf32> to vector<256x1x8x128xf32>
    tpu.vector_store %arg2[%swap3A_13, %swap3A_14, %swap3A_15, %swap3A_16], %swap3A_19 {strides = array<i32>} : memref<256x8x8x128xf32, #tpu.memory_space<vmem>>, vector<256x1x8x128xf32>,
    %get3A_20 = arith.constant 256 : index
    %get3A_21 = arith.constant 0 : index
    %get3A_22 = vector.load %arg1[%get3A_20, %get3A_21] : memref<1024x2048xf32, #tpu.memory_space<vmem>>, vector<128x2048xf32>
    %transpose3A_23 = tpu.transpose %get3A_22, [1, 0] : vector<128x2048xf32> -> vector<2048x128xf32>
    %reshape3A_24 = vector.shape_cast %transpose3A_23 : vector<2048x128xf32> to vector<256x8x128xf32>
    %swap3A_25 = arith.constant 0 : index
    %swap3A_26 = arith.constant 2 : index
    %swap3A_27 = arith.constant 0 : index
    %swap3A_28 = arith.constant 0 : index
    %swap3A_29 = vector.load %arg2[%swap3A_25, %swap3A_26, %swap3A_27, %swap3A_28] : memref<256x8x8x128xf32, #tpu.memory_space<vmem>>, vector<256x1x8x128xf32>
    %swap3A_30 = vector.shape_cast %swap3A_29 : vector<256x1x8x128xf32> to vector<256x8x128xf32>
    %swap3A_31 = vector.shape_cast %reshape3A_24 : vector<256x8x128xf32> to vector<256x1x8x128xf32>
    tpu.vector_store %arg2[%swap3A_25, %swap3A_26, %swap3A_27, %swap3A_28], %swap3A_31 {strides = array<i32>} : memref<256x8x8x128xf32, #tpu.memory_space<vmem>>, vector<256x1x8x128xf32>,
    %get3A_32 = arith.constant 384 : index
    %get3A_33 = arith.constant 0 : index
    %get3A_34 = vector.load %arg1[%get3A_32, %get3A_33] : memref<1024x2048xf32, #tpu.memory_space<vmem>>, vector<128x2048xf32>
    %transpose3A_35 = tpu.transpose %get3A_34, [1, 0] : vector<128x2048xf32> -> vector<2048x128xf32>
    %reshape3A_36 = vector.shape_cast %transpose3A_35 : vector<2048x128xf32> to vector<256x8x128xf32>
    %swap3A_37 = arith.constant 0 : index
    %swap3A_38 = arith.constant 3 : index
    %swap3A_39 = arith.constant 0 : index
    %swap3A_40 = arith.constant 0 : index
    %swap3A_41 = vector.load %arg2[%swap3A_37, %swap3A_38, %swap3A_39, %swap3A_40] : memref<256x8x8x128xf32, #tpu.memory_space<vmem>>, vector<256x1x8x128xf32>
    %swap3A_42 = vector.shape_cast %swap3A_41 : vector<256x1x8x128xf32> to vector<256x8x128xf32>
    %swap3A_43 = vector.shape_cast %reshape3A_36 : vector<256x8x128xf32> to vector<256x1x8x128xf32>
    tpu.vector_store %arg2[%swap3A_37, %swap3A_38, %swap3A_39, %swap3A_40], %swap3A_43 {strides = array<i32>} : memref<256x8x8x128xf32, #tpu.memory_space<vmem>>, vector<256x1x8x128xf32>,
    %get3A_44 = arith.constant 512 : index
    %get3A_45 = arith.constant 0 : index
    %get3A_46 = vector.load %arg1[%get3A_44, %get3A_45] : memref<1024x2048xf32, #tpu.memory_space<vmem>>, vector<128x2048xf32>
    %transpose3A_47 = tpu.transpose %get3A_46, [1, 0] : vector<128x2048xf32> -> vector<2048x128xf32>
    %reshape3A_48 = vector.shape_cast %transpose3A_47 : vector<2048x128xf32> to vector<256x8x128xf32>
    %swap3A_49 = arith.constant 0 : index
    %swap3A_50 = arith.constant 4 : index
    %swap3A_51 = arith.constant 0 : index
    %swap3A_52 = arith.constant 0 : index
    %swap3A_53 = vector.load %arg2[%swap3A_49, %swap3A_50, %swap3A_51, %swap3A_52] : memref<256x8x8x128xf32, #tpu.memory_space<vmem>>, vector<256x1x8x128xf32>
    %swap3A_54 = vector.shape_cast %swap3A_53 : vector<256x1x8x128xf32> to vector<256x8x128xf32>
    %swap3A_55 = vector.shape_cast %reshape3A_48 : vector<256x8x128xf32> to vector<256x1x8x128xf32>
    tpu.vector_store %arg2[%swap3A_49, %swap3A_50, %swap3A_51, %swap3A_52], %swap3A_55 {strides = array<i32>} : memref<256x8x8x128xf32, #tpu.memory_space<vmem>>, vector<256x1x8x128xf32>,
    %get3A_56 = arith.constant 640 : index
    %get3A_57 = arith.constant 0 : index
    %get3A_58 = vector.load %arg1[%get3A_56, %get3A_57] : memref<1024x2048xf32, #tpu.memory_space<vmem>>, vector<128x2048xf32>
    %transpose3A_59 = tpu.transpose %get3A_58, [1, 0] : vector<128x2048xf32> -> vector<2048x128xf32>
    %reshape3A_60 = vector.shape_cast %transpose3A_59 : vector<2048x128xf32> to vector<256x8x128xf32>
    %swap3A_61 = arith.constant 0 : index
    %swap3A_62 = arith.constant 5 : index
    %swap3A_63 = arith.constant 0 : index
    %swap3A_64 = arith.constant 0 : index
    %swap3A_65 = vector.load %arg2[%swap3A_61, %swap3A_62, %swap3A_63, %swap3A_64] : memref<256x8x8x128xf32, #tpu.memory_space<vmem>>, vector<256x1x8x128xf32>
    %swap3A_66 = vector.shape_cast %swap3A_65 : vector<256x1x8x128xf32> to vector<256x8x128xf32>
    %swap3A_67 = vector.shape_cast %reshape3A_60 : vector<256x8x128xf32> to vector<256x1x8x128xf32>
    tpu.vector_store %arg2[%swap3A_61, %swap3A_62, %swap3A_63, %swap3A_64], %swap3A_67 {strides = array<i32>} : memref<256x8x8x128xf32, #tpu.memory_space<vmem>>, vector<256x1x8x128xf32>,
    %get3A_68 = arith.constant 768 : index
    %get3A_69 = arith.constant 0 : index
    %get3A_70 = vector.load %arg1[%get3A_68, %get3A_69] : memref<1024x2048xf32, #tpu.memory_space<vmem>>, vector<128x2048xf32>
    %transpose3A_71 = tpu.transpose %get3A_70, [1, 0] : vector<128x2048xf32> -> vector<2048x128xf32>
    %reshape3A_72 = vector.shape_cast %transpose3A_71 : vector<2048x128xf32> to vector<256x8x128xf32>
    %swap3A_73 = arith.constant 0 : index
    %swap3A_74 = arith.constant 6 : index
    %swap3A_75 = arith.constant 0 : index
    %swap3A_76 = arith.constant 0 : index
    %swap3A_77 = vector.load %arg2[%swap3A_73, %swap3A_74, %swap3A_75, %swap3A_76] : memref<256x8x8x128xf32, #tpu.memory_space<vmem>>, vector<256x1x8x128xf32>
    %swap3A_78 = vector.shape_cast %swap3A_77 : vector<256x1x8x128xf32> to vector<256x8x128xf32>
    %swap3A_79 = vector.shape_cast %reshape3A_72 : vector<256x8x128xf32> to vector<256x1x8x128xf32>
    tpu.vector_store %arg2[%swap3A_73, %swap3A_74, %swap3A_75, %swap3A_76], %swap3A_79 {strides = array<i32>} : memref<256x8x8x128xf32, #tpu.memory_space<vmem>>, vector<256x1x8x128xf32>,
    %get3A_80 = arith.constant 896 : index
    %get3A_81 = arith.constant 0 : index
    %get3A_82 = vector.load %arg1[%get3A_80, %get3A_81] : memref<1024x2048xf32, #tpu.memory_space<vmem>>, vector<128x2048xf32>
    %transpose3A_83 = tpu.transpose %get3A_82, [1, 0] : vector<128x2048xf32> -> vector<2048x128xf32>
    %reshape3A_84 = vector.shape_cast %transpose3A_83 : vector<2048x128xf32> to vector<256x8x128xf32>
    %swap3A_85 = arith.constant 0 : index
    %swap3A_86 = arith.constant 7 : index
    %swap3A_87 = arith.constant 0 : index
    %swap3A_88 = arith.constant 0 : index
    %swap3A_89 = vector.load %arg2[%swap3A_85, %swap3A_86, %swap3A_87, %swap3A_88] : memref<256x8x8x128xf32, #tpu.memory_space<vmem>>, vector<256x1x8x128xf32>
    %swap3A_90 = vector.shape_cast %swap3A_89 : vector<256x1x8x128xf32> to vector<256x8x128xf32>
    %swap3A_91 = vector.shape_cast %reshape3A_84 : vector<256x8x128xf32> to vector<256x1x8x128xf32>
    tpu.vector_store %arg2[%swap3A_85, %swap3A_86, %swap3A_87, %swap3A_88], %swap3A_91 {strides = array<i32>} : memref<256x8x8x128xf32, #tpu.memory_space<vmem>>, vector<256x1x8x128xf32>,
    return
  }
  func.func @transform_0(%arg0: i32) -> (i32, i32) {
    %c0_i32 = arith.constant 0 : i32
    %c0_i32_0 = arith.constant 0 : i32
    return %c0_i32, %arg0 : i32, i32
  }
  func.func @transform_1(%arg0: i32) -> (i32, i32, i32, i32) {
    %c0_i32 = arith.constant 0 : i32
    %c0_i32_0 = arith.constant 0 : i32
    %c0_i32_1 = arith.constant 0 : i32
    %c0_i32_2 = arith.constant 0 : i32
    return %arg0, %c0_i32, %c0_i32_0, %c0_i32_1 : i32, i32, i32, i32
  }
}

</mosaic_0001>

<sc_bundles>
// kernel: kernel.4.cloned.1.call-start
scs
__scs_entry_jumppad:
0x0: {  	(pc) =	sbr.rel $0x88, $3  }
0x1: {  	(tag) =	ssettag $0x0;
	lr =	simm.s32 $0x1  }
0x2: {  	[smem:$0x3F9F] =	sst lr;
	_ =	strace $0xD0000000  }
0x3: {  	_ = 	snop  }
0x4: {  	_ = 	snop  }
0x5: {  	_ = 	snop  }
0x6: {  	_ = 	snop  }
0x7: {  	_ = 	snop  }
__scs_overlays_trampoline_lowered:
0x8: {  	[smem:$0x3FAE] =	sst s0  }
0x9: {  	[smem:$0x3FAF] =	sst s1  }
0xa: {  	[smem:$0x3FB0] =	sst s2  }
0xb: {  	[smem:$0x3FB1] =	sst s3  }
0xc: {  	[smem:$0x3FB2] =	sst s4  }
0xd: {  	[smem:$0x3FB3] =	sst s5  }
0xe: {  	[smem:$0x3FB4] =	sst s6  }
0xf: {  	[smem:$0x3FB5] =	sst s7  }
0x10: {  	[smem:$0x3FB6] =	sst s8  }
0x11: {  	[smem:$0x3FB7] =	sst s9;
	s0 =	simm.s32 @!p0 $0x0  }
0x12: {  	s1 =	sld [smem:$0x3F9D];
	s0 =	simm.s32 @p0 $0x1  }
0x13: {  	[smem:$0x3FB8] =	sst s0;
	s0 =	simm.s32 @!p1 $0x0  }
0x14: {  	s2 =	sld [smem:$0x3F9C];
	s0 =	simm.s32 @p1 $0x1  }
0x15: {  	[smem:$0x3FB9] =	sst s0;
	s0 =	simm.s32 @!p2 $0x0  }
0x16: {  	s3 =	sld [smem:$0x3FDB];
	s0 =	simm.s32 @p2 $0x1  }
0x17: {  	s4 =	simm.s32 $0x1BF5;
	[smem:$0x3FBB] =	sst s0  }
0x18: {  	s0 =	sld [smem:$0x3F9E];
	_ =	swait.ge [sflag:s4], $0x0  }
0x19: {  	s7 =	sld [smem:$0x3F9F]  }
0x1a: {  	s8 =	sadd.s32 $0xFFFFE003, lr  }
0x1b: {  	s9 =	sadd.s32 $0xFFFFFEF7, lr;
	s5 =	simm.s32 $0xFFFFFFFF;
	p2 =	slt.u32 s8, $0xFFFFF086  }
0x1c: {  	p1 =	slt.u32 s9, $0xF7A;
	s5 =	simm.s32 @!p2 $0x0  }
0x1d: {  	s5 =	simm.s32 @p1 $0x1;
	p0 =	seq.s32 s7, s2  }
0x1e: {  	s7 =	smul.u32 @!p0 $0xF7A, s2;
	p2 =	seq.s32 @!p0 s5, $0x0  }
0x1f: {  	s9 =	smul.u32 $0xF7A, s1;
	s8 =	simm.s32 @!p0 $0x1BF5;
	p2 =	por !p2, p0  }
0x20: {  	[sflag:s8] =	ssyncset.s32 @!p0 $0xFFFFF086;
	s6 =	sadd.s32 @!p0 s3, s7;
	s7 =	simm.s32 @!p0 $0x108  }
0x21: {  	s3 =	sadd.s32 s3, s9;
	s6 =	sadd.s32 @!p0 $0x88, s6;
	s7 =	simm.s32 @p2 $0x1082  }
0x22: {  	[simem:s7], [sflag:s8] =	dma.local @!p0 [hbm:s6], $0xF7A  }
0x23: {  	s9 =	sor.u32 $0xD0000000, s2;
	s6 =	simm.s32 $0x108;
	_ =	swait.ge @!p0 [sflag:s8], $0x0  }
0x24: {  	s3 =	sadd.s32 $0x88, s3;
	s6 =	simm.s32 @!p1 $0x1082;
	[sflag:s4] =	ssyncset.s32 $0xFFFFF086  }
0x25: {  	[simem:s6], [sflag:s4] =	dma.local [hbm:s3], $0xF7A  }
0x26: {  	[smem:$0x3F9F] =	sst s1;
	(tag) =	ssettag s2;
	_ =	strace s9  }
0x27: {  	s1 =	sld [smem:$0x3FAF]  }
0x28: {  	s2 =	sld [smem:$0x3FB0]  }
0x29: {  	s4 =	sld [smem:$0x3FB2]  }
0x2a: {  	p0 =	seq.s32 s5, $0x0;
	s5 =	sld [smem:$0x3FB3]  }
0x2b: {  	s6 =	sld [smem:$0x3FB4]  }
0x2c: {  	s7 =	sld [smem:$0x3FB5]  }
0x2d: {  	s3 =	simm.s32 $0x108;
	s8 =	sld [smem:$0x3FB6]  }
0x2e: {  	s3 =	simm.s32 @!p0 $0x1082;
	s9 =	sld [smem:$0x3FB7]  }
0x2f: {  	lr =	sadd.s32 s0, s3;
	s0 =	sld [smem:$0x3FAE]  }
0x30: {  	s3 =	sld [smem:$0x3FB1]  }
0x31: {  	[smem:$0x3FBA] =	sst s10  }
0x32: {  	s10 =	sld [smem:$0x3FB8];
	_ =	sdelay $0x3  }
0x33: {  	p0 =	seq.s32 s10, $0x1;
	s10 =	sld [smem:$0x3FBA];
	_ =	sdelay $0x3  }
0x34: {  	[smem:$0x3FBA] =	sst s10  }
0x35: {  	s10 =	sld [smem:$0x3FB9];
	_ =	sdelay $0x3  }
0x36: {  	p1 =	seq.s32 s10, $0x1;
	s10 =	sld [smem:$0x3FBA];
	_ =	sdelay $0x3  }
0x37: {  	[smem:$0x3FBA] =	sst s10  }
0x38: {  	s10 =	sld [smem:$0x3FBB]  }
0x39: {  	_ = 	snop;
	(pc) =	sbr.ind lr, $3  }
0x3a: {  	_ = 	snop  }
0x3b: {  	_ = 	snop  }
0x3c: {  	p2 =	seq.s32 s10, $0x1;
	s10 =	sld [smem:$0x3FBA]  }
0x3d: {  	_ =	shalt  }
0x3e: {  	_ =	shalt  }
0x3f: {  	_ =	shalt  }
0x40: {  	_ =	shalt  }
0x41: {  	_ =	shalt  }
0x42: {  	_ =	shalt  }
0x43: {  	_ =	shalt  }
0x44: {  	_ =	shalt  }
0x45: {  	_ =	shalt  }
0x46: {  	_ =	shalt  }
0x47: {  	_ =	shalt  }
0x48: {  	_ =	shalt  }
0x49: {  	_ =	shalt  }
0x4a: {  	_ =	shalt  }
0x4b: {  	_ =	shalt  }
0x4c: {  	_ =	shalt  }
0x4d: {  	_ =	shalt  }
0x4e: {  	_ =	shalt  }
0x4f: {  	_ =	shalt  }
0x50: {  	_ =	shalt  }
0x51: {  	_ =	shalt  }
0x52: {  	_ =	shalt  }
0x53: {  	_ =	shalt  }
0x54: {  	_ =	shalt  }
0x55: {  	_ =	shalt  }
0x56: {  	_ =	shalt  }
0x57: {  	_ =	shalt  }
0x58: {  	_ =	shalt  }
0x59: {  	_ =	shalt  }
0x5a: {  	_ =	shalt  }
0x5b: {  	_ =	shalt  }
0x5c: {  	_ =	shalt  }
0x5d: {  	_ =	shalt  }
0x5e: {  	_ =	shalt  }
0x5f: {  	_ =	shalt  }
0x60: {  	_ =	shalt  }
0x61: {  	_ =	shalt  }
0x62: {  	_ =	shalt  }
0x63: {  	_ =	shalt  }
0x64: {  	_ =	shalt  }
0x65: {  	_ =	shalt  }
0x66: {  	_ =	shalt  }
0x67: {  	_ =	shalt  }
0x68: {  	_ =	shalt  }
0x69: {  	_ =	shalt  }
0x6a: {  	_ =	shalt  }
0x6b: {  	_ =	shalt  }
0x6c: {  	_ =	shalt  }
0x6d: {  	_ =	shalt  }
0x6e: {  	_ =	shalt  }
0x6f: {  	_ =	shalt  }
0x70: {  	_ =	shalt  }
0x71: {  	_ =	shalt  }
0x72: {  	_ =	shalt  }
0x73: {  	_ =	shalt  }
0x74: {  	_ =	shalt  }
0x75: {  	_ =	shalt  }
0x76: {  	_ =	shalt  }
0x77: {  	_ =	shalt  }
0x78: {  	_ =	shalt  }
0x79: {  	_ =	shalt  }
0x7a: {  	_ =	shalt  }
0x7b: {  	_ =	shalt  }
0x7c: {  	_ =	shalt  }
0x7d: {  	_ =	shalt  }
0x7e: {  	_ =	shalt  }
0x7f: {  	_ =	shalt  }
0x80: {  	_ =	shalt  }
0x81: {  	_ =	shalt  }
0x82: {  	_ =	shalt  }
0x83: {  	_ =	shalt  }
0x84: {  	_ =	shalt  }
0x85: {  	_ =	shalt  }
0x86: {  	_ =	shalt  }
0x87: {  	_ =	shalt  }
.Lfunc_end0:
.L_simem_size_0:
called_computation_lowered:
.L_overlay_start_0:
0x88: {  	s2 =	sld [smem:$0x3FD9]  }
0x89: {  	s3 =	sld [smem:$0x3FFE];
	_ =	sdelay $0x1  }
0x8a: {  	s1 =	srdreg.scid  }
0x8b: {  	s0 =	sand.u32 $0x1, s1  }
0x8c: {  	s17 =	sshll.u32 s0, $0xA;
	s2 =	sadd.s32 s3, s2  }
0x8d: {  	s2 =	sadd.s32 s2, s17  }
0x8e: {  	[smem:$0x3FC6] =	sst s2  }
0x8f: {  	_ = 	snop  }
0x90: {  	s2 =	sld [smem:$0x3FD0];
	(tm) =	ssettm $0x1  }
0x91: {  	s18 =	sld [smem:$0x3FFB];
	_ =	sdelay $0x3  }
0x92: {  	_ =	strace s18  }
0x93: {  	s3 =	sld [smem:$0x3FFC];
	_ =	sdelay $0x3  }
0x94: {  	_ =	strace s3  }
0x95: {  	s3 =	sld [smem:$0x3FFD];
	_ =	sdelay $0x3  }
0x96: {  	_ =	strace s3  }
0x97: {  	_ =	strace $0x8FFFFFFF  }
0x98: {  	s19 =	sld [smem:$0x3FDB];
	_ =	sdelay $0x1  }
0x99: {  	s4 =	simm.s32 $_scs_section_size  }
0x9a: {  	s5 =	simm.s32 $_size__tile_overlayer_lowered;
	s6 =	simm.s32 $_tile_overlayer_lowered  }
0x9b: {  	s22 =	simm.s32 $0x1BFF;
	s21 =	sshll.u32 s6, $0x1;
	s3 =	sadd.s32 s4, s19  }
0x9c: {  	s7 =	simm.s32 $0x0;
	s20 =	sshll.u32 s5, $0x1;
	s5 =	sadd.s32 s21, s3  }
0x9d: {  	[timem:s7], [sflag:s22] =	dma.local [hbm:s5], s20  }
0x9e: {  	_ =	swait.ge [sflag:s22], s20  }
0x9f: {  	s4 =	ssub.s32 $0x0, s20;
	[sflag:s22] =	ssyncset.done $0x0  }
0xa0: {  	[sflag:s22] =	ssyncadd.s32 s4;
	_ =	sdelay $0x1  }
0xa1: {  	s23 =	simm.s32 $0x1B8B  }
0xa2: {  	_ =	swait.ge [sflag:s23], $0x1  }
0xa3: {  	[sflag:s23] =	ssyncset.done $0x0  }
0xa4: {  	s25 =	simm.s32 $0x1B8E;
	s24 =	sld [smem:$0x3FFE];
	[sflag:s23] =	ssyncadd.s32 $0xFFFFFFFF  }
0xa5: {  	s26 =	simm.s32 $execute0_lowered;
	[smem:$0x3FD2] =	sst s25  }
0xa6: {  	s5 =	sshll.u32 s26, $0x1;
	_ =	strace $0x80000046;
	[dreg:$0x1] =	wrdreg $0xFFFFFFFF  }
0xa7: {  	s28 =	simm.s32 $_size_execute0_lowered;
	s3 =	sadd.s32 s3, s5;
	[dreg:$0x0] =	wrdreg $0x0  }
0xa8: {  	s5 =	sshll.u32 s28, $0x1;
	[dreg:$0x2] =	wrdreg s3  }
0xa9: {  	[dreg:$0x3] =	wrdreg s5  }
0xaa: {  	[dreg:$0x4] =	wrdreg $0xC0  }
0xab: {  	_ =	task [dreg:s7], $0x5FFFF  }
0xac: {  	[dreg:$0x1] =	wrdreg $0xFFFFFFFF  }
0xad: {  	[dreg:$0x0] =	wrdreg $0x60  }
0xae: {  	[dreg:$0x2] =	wrdreg s2  }
0xaf: {  	[dreg:$0x3] =	wrdreg s24  }
0xb0: {  	[dreg:$0x4] =	wrdreg $0x9  }
0xb1: {  	_ =	task.clear_ibuf [dreg:s7], $0x5FFFF;
	_ =	strace $0x90000046  }
0xb2: {  	s29 =	simm.s32 $0x9;
	_ =	strace $0x80000048  }
0xb3: {  	_ =	swait.ge [sflag:s29], $0x1  }
0xb4: {  	[sflag:s29] =	ssyncadd.s32 $0xFFFFFFFF  }
0xb5: {  	_ =	strace $0x90000048  }
0xb6: {  	_ =	sfence  }
0xb7: {  	s30 =	sld [smem:$0x0];
	_ =	sdelay $0x2  }
0xb8: {  	s31 =	sshll.u32 s1, $0xD;
	s1 =	sshrl.u32 s1, $0x2  }
0xb9: {  	s3 =	sand.u32 $0x4000, s31;
	s1 =	sadd.s32 s1, s30  }
0xba: {  	s0 =	sor.u32 s3, s0;
	s1 =	sshll.u32 s1, $0x11  }
0xbb: {  	s0 =	sor.u32 s1, s0  }
0xbc: {  	s0 =	sadd.s32 $0x8F2B, s0  }
0xbd: {  	[sflag:s0] =	ssyncadd.remote.s32 $0x1  }
0xbe: {  	_ =	sfence.sel $0xFFFF  }
0xbf: {  	[dreg:$0x0] =	wrdreg $0xFFFFFFFF;
	(pc) =	sbr.abs _section_cstart, $3  }
0xc0: {  	[dreg:$0x1] =	wrdreg $0xFFFFFFFF  }
0xc1: {  	_ =	task.clear_ibuf [dreg:s7], $0x2FFFF;
	_ =	strace $0x9FFFFFFF  }
0xc2: {  	(tm) =	ssettm $0x7FFFFFFF  }
0xc3: {  	_ =	shalt  }
tec
execute0_lowered:
.L_overlay_start_1:
0x0: {  	(tag) =	ssettag $0x1  }
0x1: {  	s6 =	rddreg [dreg:$0x0]  }
0x2: {  	s5 =	rddreg [dreg:$0x1]  }
0x3: {  	s0 =	rddreg [dreg:$0x2];
	s2 =	simm.s32 $0x0;
	s3 =	srdreg.scid  }
0x4: {  	s1 =	stileid.u32;
	s9 =	simm.s32 $0x2000;
	s10 =	simm.s32 $0x2080  }
0x5: {  	s11 =	simm.s32 $0x80;
	s12 =	simm.s32 $0x400;
	s13 =	simm.s32 $0x0  }
0x6: {  	[smem:$0x7FF] =	sst s2;
	s3 =	sand.u32 $0x1, s3;
	s4 =	sshll.u32 s1, $0x6  }
0x7: {  	s7 =	ssub.s32 $0x2, s3;
	s3 =	sshll.u32 s3, $0x5;
	_ =	strace $0x80000047  }
0x8: {  	s8 =	sshrl.u32 s7, $0x1;
	s3 =	sor.u32 s3, s4;
	s4 =	sadd.s32 $0x400, s5  }
0x9: {  	s5 =	sadd.s32 $0x600, s5;
	s7 =	ssub.s32 s7, s8;
	s31 =	sshll.u32 s3, $0x5  }
0xa: {  	v0 =	vimm.f32 $0.0e+00;
	v1 =	vimm.f32 $1.000000000e+00;
	s8 =	simm.s32 $0x1;
	s6 =	sadd.s32 s6, s31;
	s7 =	smax.u32 s7, $0x1  }
.LBB2_1:
0xb: {  	[tilespmem:s2], [sflag:$0x1] =	stream.linear.gather [hbm4b:s6+s2], $0x2000, $0x38;
	[tilespmem:$0x1A780] =	vst v63  }
0xc: {  	_ =	swait.ge [sflag:s8], $0x2000  }
0xd: {  	[sflag:s8] =	ssyncset.done $0x0  }
0xe: {  	[sflag:s8] =	ssyncadd.s32 $0xFFFFE000  }
0xf: {  	[tilespmem:s9], [sflag:$0x1] =	stream.linear.gather [hbm4b:s4+s2], $0x80, $0x38;
	[tilespmem:$0x1A780] =	vst v63  }
0x10: {  	_ =	swait.ge [sflag:s8], $0x80  }
0x11: {  	[sflag:s8] =	ssyncset.done $0x0  }
0x12: {  	s14 =	simm.s32 $0x20D0;
	[sflag:s8] =	ssyncadd.s32 $0xFFFFFF80  }
0x13: {  	[tilespmem:s14+$0xFFFFFFC0] =	vst v0  }
0x14: {  	[tilespmem:s14+$0xFFFFFFD0] =	vst v0  }
0x15: {  	[tilespmem:s14+$0xFFFFFFE0] =	vst v0  }
0x16: {  	[tilespmem:s14+$0xFFFFFFF0] =	vst v0  }
0x17: {  	[tilespmem:s14+$0x0] =	vst v0  }
0x18: {  	[tilespmem:s14+$0x10] =	vst v0  }
0x19: {  	[tilespmem:s14+$0x20] =	vst v0  }
0x1a: {  	s16 =	sand.u32 $0x3FFE0, s2;
	s15 =	simm.s32 $0xA0;
	[tilespmem:s14+$0xFFFFFFB0] =	vst v0  }
.LBB2_2:
0x1b: {  	p0 =	sne.s32 s15, $0x18600;
	[tilespmem:s16+$0x2100] =	vst v0  }
0x1c: {  	[tilespmem:s14+$0x40] =	vst v0;
	s14 =	sadd.s32 $0xA0, s14  }
0x1d: {  	[tilespmem:s14+$0xFFFFFFC0] =	vst v0  }
0x1e: {  	[tilespmem:s14+$0xFFFFFFD0] =	vst v0  }
0x1f: {  	[tilespmem:s14+$0xFFFFFFE0] =	vst v0  }
.Ltmp0:
0x20: {  	[tilespmem:s14+$0xFFFFFFF0] =	vst v0;
	(pc) =	sbr.rel @p0 .LBB2_2-.Ltmp0, $4  }
0x21: {  	[tilespmem:s14+$0x0] =	vst v0  }
0x22: {  	[tilespmem:s14+$0x10] =	vst v0  }
0x23: {  	[tilespmem:s14+$0x20] =	vst v0  }
0x24: {  	s16 =	sand.u32 $0x3FFE0, s15;
	s15 =	sadd.s32 $0xA0, s15;
	[tilespmem:s14+$0xFFFFFFB0] =	vst v0  }
0x25: {  	[tilespmem:s16+$0x2100] =	vst v0  }
0x26: {  	[tilespmem:s14+$0x40] =	vst v0  }
0x27: {  	s15 =	smov.u32 s3;
	s16 =	simm.s32 $0x0;
	s14 =	simm.s32 $0x0;
	v2 =	vld [tilespmem:$0x2000]  }
.LBB2_4:
0x28: {  	s17 =	sand.u32 $0x1800, s16;
	s18 =	sand.u32 $0x380, s14  }
0x29: {  	s17 =	sor.u32 s18, s17  }
0x2a: {  	v3 =	vld [tilespmem:s17+$0x0];
	_ =	sdelay $0x7  }
0x2b: {  	[tilespmem:v3+s10+$0x0] =	vst.idx.add.f32.msk $0xffff, v1  }
0x2c: {  	v3 =	vld [tilespmem:s17+$0x10];
	_ =	sdelay $0x7  }
0x2d: {  	[tilespmem:v3+s10+$0x0] =	vst.idx.add.f32.msk $0xffff, v1  }
0x2e: {  	v3 =	vld [tilespmem:s17+$0x20];
	_ =	sdelay $0x7  }
0x2f: {  	[tilespmem:v3+s10+$0x0] =	vst.idx.add.f32.msk $0xffff, v1  }
0x30: {  	v3 =	vld [tilespmem:s17+$0x30];
	_ =	sdelay $0x7  }
0x31: {  	[tilespmem:v3+s10+$0x0] =	vst.idx.add.f32.msk $0xffff, v1  }
0x32: {  	v3 =	vld [tilespmem:s17+$0x40];
	_ =	sdelay $0x7  }
0x33: {  	[tilespmem:v3+s10+$0x0] =	vst.idx.add.f32.msk $0xffff, v1  }
0x34: {  	v3 =	vld [tilespmem:s17+$0x50];
	_ =	sdelay $0x7  }
0x35: {  	[tilespmem:v3+s10+$0x0] =	vst.idx.add.f32.msk $0xffff, v1  }
0x36: {  	v3 =	vld [tilespmem:s17+$0x60];
	_ =	sdelay $0x7  }
0x37: {  	[tilespmem:v3+s10+$0x0] =	vst.idx.add.f32.msk $0xffff, v1  }
0x38: {  	v3 =	vld [tilespmem:s17+$0x70];
	_ =	sdelay $0x7  }
0x39: {  	[tilespmem:v3+s10+$0x0] =	vst.idx.add.f32.msk $0xffff, v1  }
0x3a: {  	v3 =	vld [tilespmem:s17+$0x400];
	_ =	sdelay $0x7  }
0x3b: {  	[tilespmem:v3+s10+$0x0] =	vst.idx.add.f32.msk $0xffff, v1  }
0x3c: {  	v3 =	vld [tilespmem:s17+$0x410];
	_ =	sdelay $0x7  }
0x3d: {  	[tilespmem:v3+s10+$0x0] =	vst.idx.add.f32.msk $0xffff, v1  }
0x3e: {  	v3 =	vld [tilespmem:s17+$0x420];
	_ =	sdelay $0x7  }
0x3f: {  	[tilespmem:v3+s10+$0x0] =	vst.idx.add.f32.msk $0xffff, v1  }
0x40: {  	v3 =	vld [tilespmem:s17+$0x430];
	_ =	sdelay $0x7  }
0x41: {  	[tilespmem:v3+s10+$0x0] =	vst.idx.add.f32.msk $0xffff, v1  }
0x42: {  	v3 =	vld [tilespmem:s17+$0x440];
	_ =	sdelay $0x3  }
0x43: {  	s19 =	sshrl.u32 s15, $0x3  }
0x44: {  	s19 =	smul.u32 $0xC3800, s19;
	_ =	sdelay $0x1  }
0x45: {  	s18 =	sor.u32 s18, s19  }
0x46: {  	s18 =	sshrl.u32 s18, $0x3;
	[tilespmem:v3+s10+$0x0] =	vst.idx.add.f32.msk $0xffff, v1  }
0x47: {  	s18 =	sadd.s32 s5, s18;
	[tilespmem:v2+s10+$0x0] =	vst.idx.msk $0xffff, v0  }
0x48: {  	[hbm4b:s18+s11] =	stream.strided.scatter [tilespmem:s10], [sflag:$0x1], $0x18700, s12, s11, $0x38;
	[tilespmem:$0x1A780] =	vst v63  }
0x49: {  	_ =	swait.ge [sflag:s8], $0x18700  }
0x4a: {  	[sflag:s8] =	ssyncset.done $0x0  }
0x4b: {  	[sflag:s8] =	ssyncadd.s32 $0xFFFE7900  }
0x4c: {  	v3 =	vld [tilespmem:s17+$0x0];
	_ =	sdelay $0x7  }
0x4d: {  	[tilespmem:v3+s10+$0x0] =	vst.idx.msk $0xffff, v0  }
0x4e: {  	v3 =	vld [tilespmem:s17+$0x10];
	_ =	sdelay $0x7  }
0x4f: {  	[tilespmem:v3+s10+$0x0] =	vst.idx.msk $0xffff, v0  }
0x50: {  	v3 =	vld [tilespmem:s17+$0x20];
	_ =	sdelay $0x7  }
0x51: {  	[tilespmem:v3+s10+$0x0] =	vst.idx.msk $0xffff, v0  }
0x52: {  	v3 =	vld [tilespmem:s17+$0x30];
	_ =	sdelay $0x7  }
0x53: {  	[tilespmem:v3+s10+$0x0] =	vst.idx.msk $0xffff, v0  }
0x54: {  	v3 =	vld [tilespmem:s17+$0x40];
	_ =	sdelay $0x7  }
0x55: {  	[tilespmem:v3+s10+$0x0] =	vst.idx.msk $0xffff, v0  }
0x56: {  	v3 =	vld [tilespmem:s17+$0x50];
	_ =	sdelay $0x7  }
0x57: {  	[tilespmem:v3+s10+$0x0] =	vst.idx.msk $0xffff, v0  }
0x58: {  	v3 =	vld [tilespmem:s17+$0x60];
	_ =	sdelay $0x7  }
0x59: {  	[tilespmem:v3+s10+$0x0] =	vst.idx.msk $0xffff, v0  }
0x5a: {  	v3 =	vld [tilespmem:s17+$0x70];
	_ =	sdelay $0x7  }
0x5b: {  	[tilespmem:v3+s10+$0x0] =	vst.idx.msk $0xffff, v0  }
0x5c: {  	v3 =	vld [tilespmem:s17+$0x400];
	_ =	sdelay $0x7  }
0x5d: {  	[tilespmem:v3+s10+$0x0] =	vst.idx.msk $0xffff, v0  }
0x5e: {  	v3 =	vld [tilespmem:s17+$0x410];
	_ =	sdelay $0x7  }
0x5f: {  	[tilespmem:v3+s10+$0x0] =	vst.idx.msk $0xffff, v0  }
0x60: {  	v3 =	vld [tilespmem:s17+$0x420];
	_ =	sdelay $0x7  }
0x61: {  	[tilespmem:v3+s10+$0x0] =	vst.idx.msk $0xffff, v0  }
0x62: {  	v3 =	vld [tilespmem:s17+$0x430];
	_ =	sdelay $0x7  }
0x63: {  	[tilespmem:v3+s10+$0x0] =	vst.idx.msk $0xffff, v0  }
0x64: {  	v3 =	vld [tilespmem:s17+$0x440];
	_ =	sdelay $0x2  }
0x65: {  	p0 =	sne.s32 s16, $0x1F00  }
.Ltmp1:
0x66: {  	_ = 	snop;
	(pc) =	sbr.rel @p0 .LBB2_4-.Ltmp1, $2  }
0x67: {  	_ =	sdelay $0x2  }
0x68: {  	s14 =	sadd.s32 $0x80, s14;
	s15 =	sadd.s32 $0x1, s15;
	s16 =	sadd.s32 $0x100, s16;
	[tilespmem:v3+s10+$0x0] =	vst.idx.msk $0xffff, v0  }
0x69: {  	s13 =	sadd.s32 $0x1, s13  }
0x6a: {  	p0 =	sne.s32 s13, s7  }
.Ltmp2:
0x6b: {  	_ = 	snop;
	(pc) =	sbr.rel @p0 .LBB2_1-.Ltmp2, $1  }
0x6c: {  	_ =	sdelay $0x3  }
0x6d: {  	_ =	sfence.sel $0x180000  }
0x6e: {  	[bflag:$0x0] =	sbarrier.arrive $0xFFFF  }
0x6f: {  	p0 =	sne.s32 s1, $0x0;
	_ =	strace $0x90000047  }
0x70: {  	s0 =	sadd.s32 @!p0 $0x100000, s0;
	[bflag:$0x2] =	sbarrier.arrive $0xFFFF  }
0x71: {  	[sflag:s0] =	ssyncadd.tile.s32 @!p0 $0x1;
	_ =	shalt  }
.Lfunc_end2:
_tile_overlayer_lowered:
.L_overlay_start_2:
0x72: {  	(tag) =	ssettag $0x2  }
0x73: {  	s0 =	rddreg [dreg:$0x0];
	s2 =	stileid.u32  }
0x74: {  	s1 =	rddreg [dreg:$0x1];
	p0 =	sne.s32 s2, $0x0  }
0x75: {  	s3 =	rddreg [dreg:$0x2];
	[bflag:$0x3] =	sbarrier.arrive $0xFFFF;
	s2 =	simm.s32 @!p0 $0x1C01  }
0x76: {  	[timem:s3], [sflag:s2] =	dma.local @!p0 [hbm:s0], s1  }
0x77: {  	s0 =	simm.s32 @!p0 $0x1  }
0x78: {  	_ =	swait.ge @!p0 [sflag:s0], s1  }
0x79: {  	s1 =	ssub.s32 @!p0 $0x0, s1;
	[sflag:s0] =	ssyncset.done @!p0 $0x0  }
0x7a: {  	[sflag:s0] =	ssyncadd.s32 @!p0 s1  }
0x7b: {  	[bflag:$0x3] =	sbarrier.arrive $0xFFFF  }
0x7c: {  	_ =	shalt  }

</sc_bundles>
